<compile_context>
chip_gen: v7x
topology: tpu7x:2x2x1
jax: 0.10.2.dev20260603
libtpu: 0.0.44.dev20260713+nightly
codegen_flags: <defaults>
</compile_context>

<pallas_src>
import functools

import jax
import jax.numpy as jnp
from jax import lax
from jax.experimental import pallas as pl
from jax.experimental.pallas import tpu as pltpu
from jax.experimental.pallas import tpu_sc as plsc

NUM_EMBEDDINGS = 100000
EMBEDDING_DIM = 128

_info = plsc.get_sparse_core_info()
_NC, _NS = _info.num_cores, _info.num_subcores
_NW = _NC * _NS


def _make_gather(S, T, D):
    sb = S // _NW
    assert S % _NW == 0 and sb % 128 == 0 and T % 2 == 0
    chunk = 2 * sb
    n_chunks = T // 2
    mesh = plsc.VectorSubcoreMesh(core_axis_name="c", subcore_axis_name="s")

    @functools.partial(
        pl.kernel,
        mesh=mesh,
        out_type=jax.ShapeDtypeStruct((T, S, D), jnp.float32),
        scratch_types=[
            pltpu.VMEM((T * sb,), jnp.int32),
            pltpu.VMEM((chunk, D), jnp.float32),
            pltpu.VMEM((chunk, D), jnp.float32),
            pltpu.SemaphoreType.DMA,
            pltpu.SemaphoreType.DMA,
            pltpu.SemaphoreType.DMA,
            pltpu.SemaphoreType.DMA,
        ],
    )
    def gather_kernel(ids_hbm, table_hbm, out_hbm, idx_all, rows_a, rows_b,
                      gsem_a, gsem_b, ssem_a, ssem_b):
        wid = lax.axis_index("s") * _NC + lax.axis_index("c")
        s0 = wid * sb
        pltpu.sync_copy(ids_hbm.at[pl.ds(wid * T * sb, T * sb)], idx_all)

        def gather_chunk(c, rows, sem):
            return pltpu.async_copy(
                table_hbm.at[idx_all.at[pl.ds(c * chunk, chunk)]], rows, sem)

        def scatter_chunk(c, rows, sem):
            t0 = 2 * c
            pltpu.async_copy(rows.at[pl.ds(0, sb)],
                             out_hbm.at[t0, pl.ds(s0, sb)], sem)
            pltpu.async_copy(rows.at[pl.ds(sb, sb)],
                             out_hbm.at[t0 + 1, pl.ds(s0, sb)], sem)

        def drain_scatter(rows, sem):
            for k in range(2):
                pltpu.make_async_copy(rows.at[pl.ds(k * sb, sb)],
                                      out_hbm.at[k, pl.ds(s0, sb)], sem).wait()

        cg0 = gather_chunk(0, rows_a, gsem_a)
        cg1 = gather_chunk(1, rows_b, gsem_b)
        cg0.wait()
        scatter_chunk(0, rows_a, ssem_a)
        cg1.wait()
        scatter_chunk(1, rows_b, ssem_b)

        def body(j, carry):
            c0 = 2 * j
            c1 = c0 + 1
            drain_scatter(rows_a, ssem_a)
            ga = gather_chunk(c0, rows_a, gsem_a)
            drain_scatter(rows_b, ssem_b)
            gb = gather_chunk(c1, rows_b, gsem_b)
            ga.wait()
            scatter_chunk(c0, rows_a, ssem_a)
            gb.wait()
            scatter_chunk(c1, rows_b, ssem_b)
            return carry

        lax.fori_loop(1, (n_chunks - 1) // 2, body, 0)

        drain_scatter(rows_a, ssem_a)
        cg = gather_chunk(n_chunks - 1, rows_a, gsem_a)
        drain_scatter(rows_b, ssem_b)
        cg.wait()
        scatter_chunk(n_chunks - 1, rows_a, ssem_a)
        drain_scatter(rows_a, ssem_a)

    return gather_kernel


_gather = _make_gather(4096, 50, EMBEDDING_DIM)


def kernel(token_ids, embedding):
    S, T = token_ids.shape
    sb = S // _NW
    ids = token_ids.astype(jnp.int32).reshape(_NW, sb, T)
    ids = ids.transpose(0, 2, 1).reshape(-1)
    out_t = _gather(ids, embedding)
    return out_t.transpose(1, 0, 2)

# --- scband reference (transcript-rebuilt; emitter-appended) ---
"""Pipeline reference for scband-embedding-90915867721898 (READ-ONLY COPY).

The authoritative reference and input builder live on the scoring server;
editing this copy changes nothing except your own understanding.
"""

import jax, jax.numpy as jnp
import numpy as np

NUM_EMBEDDINGS = 100000
EMBEDDING_DIM = 128

def setup_inputs(seed: int = 0) -> dict:
    key = jax.random.key(seed)
    k1, k2 = jax.random.split(key)
    token_ids = jax.random.randint(k1, (4096, 50), 0, NUM_EMBEDDINGS, dtype=jnp.int64 if jax.config.jax_enable_x64 else jnp.int32)
    # truncated normal init in [-3, 3], matching nn.init.trunc_normal_ defaults (mean=0, std=1)
    embedding = jax.random.truncated_normal(k2, -3.0, 3.0, (NUM_EMBEDDINGS, EMBEDDING_DIM), dtype=jnp.float32)
    return {"token_ids": token_ids, "embedding": embedding}

def reference(token_ids, embedding):
    # Faithful translation of: return self.embedding[token_ids]
    return jnp.take(embedding, token_ids, axis=0)

if __name__ == "__main__":
    import jax
    _d = setup_inputs()
    print(jax.jit(kernel)(*tuple(_d.values())))

</pallas_src>

<mosaic_0001>
#map = affine_map<(d0, d1) -> (0)>
#map1 = affine_map<(d0, d1) -> (0, 0)>
#map2 = affine_map<(d0, d1) -> (0, 0, 0)>
module attributes {stable_mosaic.version = 14 : i64} {
  func.func @gather_kernel(%arg0: i32, %arg1: i32, %arg2: memref<204800xi32, #tpu.memory_space<hbm>>, %arg3: memref<100000x128xf32, #tpu.memory_space<hbm>>, %arg4: memref<50x4096x128xf32, #tpu.memory_space<hbm>>, %arg5: memref<6400xi32, #tpu.memory_space<vmem>>, %arg6: memref<256x128xf32, #tpu.memory_space<vmem>>, %arg7: memref<256x128xf32, #tpu.memory_space<vmem>>, %arg8: memref<!tpu.dma_semaphore, #tpu.memory_space<semaphore_mem>>, %arg9: memref<!tpu.dma_semaphore, #tpu.memory_space<semaphore_mem>>, %arg10: memref<!tpu.dma_semaphore, #tpu.memory_space<semaphore_mem>>, %arg11: memref<!tpu.dma_semaphore, #tpu.memory_space<semaphore_mem>>) attributes {dimension_semantics = [#tpu.dimension_semantics<core_parallel>, #tpu.dimension_semantics<subcore_parallel>], iteration_bounds = array<i64: 2, 16>, scalar_prefetch = 0 : i64, scratch_operands = 7 : i64, tpu.core_type = #tpu.core_type<sc_vector_subcore>, window_params = [{transform_indices = #map}, {transform_indices = #map1}, {transform_indices = #map2}]} {
    %mul3A = arith.constant 2 : i32
    %mul3A_0 = arith.muli %arg1, %mul3A : i32
    %add3A = arith.addi %mul3A_0, %arg0 : i32
    %mul3A_1 = arith.constant 128 : i32
    %mul3A_2 = arith.muli %add3A, %mul3A_1 : i32
    %mul3A_3 = arith.constant 50 : i32
    %mul3A_4 = arith.muli %add3A, %mul3A_3 : i32
    %mul3A_5 = arith.constant 128 : i32
    %mul3A_6 = arith.muli %mul3A_4, %mul3A_5 : i32
    "tpu.region"() ({
      %run_scoped3A = tpu.sem_alloc : memref<!tpu.dma_semaphore, #tpu.memory_space<semaphore_mem>>
      %dma_start3A_196 = tpu.memref_slice %arg2[%mul3A_6] : memref<204800xi32, #tpu.memory_space<hbm>> -> memref<6400xi32, #tpu.memory_space<hbm>>
      %dma_start3A_197 = tpu.memref_slice %arg2[%mul3A_6] : memref<204800xi32, #tpu.memory_space<hbm>> -> memref<6400xi32, #tpu.memory_space<hbm>>
      tpu.enqueue_dma source(%dma_start3A_197 : memref<6400xi32, #tpu.memory_space<hbm>>) target(%arg5 : memref<6400xi32, #tpu.memory_space<vmem>>) target_semaphore(%run_scoped3A : memref<!tpu.dma_semaphore, #tpu.memory_space<semaphore_mem>>)
      %dma_wait3A_198 = tpu.memref_slice %arg2[%mul3A_6] : memref<204800xi32, #tpu.memory_space<hbm>> -> memref<6400xi32, #tpu.memory_space<hbm>>
      %dma_wait3A_199 = tpu.memref_slice %arg2[%mul3A_6] : memref<204800xi32, #tpu.memory_space<hbm>> -> memref<6400xi32, #tpu.memory_space<hbm>>
      tpu.wait_dma2 semaphore(%run_scoped3A : memref<!tpu.dma_semaphore, #tpu.memory_space<semaphore_mem>>) src(%dma_wait3A_199 : memref<6400xi32, #tpu.memory_space<hbm>>) dst(%arg5 : memref<6400xi32, #tpu.memory_space<vmem>>)
      tpu.yield
    }) : () -> ()
    %dma_start3A = arith.constant 0 : i32
    %dma_start3A_7 = tpu.memref_slice %arg5[%dma_start3A] : memref<6400xi32, #tpu.memory_space<vmem>> -> memref<256xi32, #tpu.memory_space<vmem>>
    %dma_start3A_8 = arith.constant 0 : i32
    %dma_start3A_9 = arith.constant 0 : i32
    %dma_start3A_10 = tpu.memref_slice %arg3[%dma_start3A_8, %dma_start3A_9] : memref<100000x128xf32, #tpu.memory_space<hbm>> -> memref<100000x128xf32, #tpu.memory_space<hbm>>
    tpu.enqueue_indirect_dma source(%dma_start3A_10 : memref<100000x128xf32, #tpu.memory_space<hbm>>) target(%arg6 : memref<256x128xf32, #tpu.memory_space<vmem>>) offsets(%dma_start3A_7 : memref<256xi32, #tpu.memory_space<vmem>>) semaphore(%arg8 : memref<!tpu.dma_semaphore, #tpu.memory_space<semaphore_mem>>)
    %dma_start3A_11 = arith.constant 256 : i32
    %dma_start3A_12 = tpu.memref_slice %arg5[%dma_start3A_11] : memref<6400xi32, #tpu.memory_space<vmem>> -> memref<256xi32, #tpu.memory_space<vmem>>
    %dma_start3A_13 = arith.constant 0 : i32
    %dma_start3A_14 = arith.constant 0 : i32
    %dma_start3A_15 = tpu.memref_slice %arg3[%dma_start3A_13, %dma_start3A_14] : memref<100000x128xf32, #tpu.memory_space<hbm>> -> memref<100000x128xf32, #tpu.memory_space<hbm>>
    tpu.enqueue_indirect_dma source(%dma_start3A_15 : memref<100000x128xf32, #tpu.memory_space<hbm>>) target(%arg7 : memref<256x128xf32, #tpu.memory_space<vmem>>) offsets(%dma_start3A_12 : memref<256xi32, #tpu.memory_space<vmem>>) semaphore(%arg9 : memref<!tpu.dma_semaphore, #tpu.memory_space<semaphore_mem>>)
    %dma_wait3A = arith.constant 0 : i32
    %dma_wait3A_16 = tpu.memref_slice %arg5[%dma_wait3A] : memref<6400xi32, #tpu.memory_space<vmem>> -> memref<256xi32, #tpu.memory_space<vmem>>
    %dma_wait3A_17 = arith.constant 0 : i32
    %dma_wait3A_18 = arith.constant 0 : i32
    %dma_wait3A_19 = tpu.memref_slice %arg3[%dma_wait3A_17, %dma_wait3A_18] : memref<100000x128xf32, #tpu.memory_space<hbm>> -> memref<100000x128xf32, #tpu.memory_space<hbm>>
    tpu.wait_indirect_dma semaphore(%arg8 : memref<!tpu.dma_semaphore, #tpu.memory_space<semaphore_mem>>) src(%dma_wait3A_19 : memref<100000x128xf32, #tpu.memory_space<hbm>>) dst(%arg6 : memref<256x128xf32, #tpu.memory_space<vmem>>)
    %dma_start3A_20 = arith.constant 0 : i32
    %dma_start3A_21 = arith.constant 0 : i32
    %dma_start3A_22 = arith.constant 0 : i32
    %dma_start3A_23 = tpu.memref_slice %arg6[%dma_start3A_21, %dma_start3A_22] : memref<256x128xf32, #tpu.memory_space<vmem>> -> memref<128x128xf32, #tpu.memory_space<vmem>>
    %dma_start3A_24 = arith.constant 0 : i32
    %dma_start3A_25 = tpu.memref_slice %arg4[%dma_start3A_20, %mul3A_2, %dma_start3A_24] : memref<50x4096x128xf32, #tpu.memory_space<hbm>> -> memref<1x128x128xf32, #tpu.memory_space<hbm>>
    %dma_start3A_26 = tpu.memref_squeeze %dma_start3A_25 : memref<1x128x128xf32, #tpu.memory_space<hbm>> -> memref<128x128xf32, #tpu.memory_space<hbm>>
    %dma_start3A_27 = arith.constant 0 : i32
    %dma_start3A_28 = tpu.memref_slice %arg4[%dma_start3A_20, %mul3A_2, %dma_start3A_27] : memref<50x4096x128xf32, #tpu.memory_space<hbm>> -> memref<1x128x128xf32, #tpu.memory_space<hbm>>
    %dma_start3A_29 = tpu.memref_squeeze %dma_start3A_28 : memref<1x128x128xf32, #tpu.memory_space<hbm>> -> memref<128x128xf32, #tpu.memory_space<hbm>>
    %dma_start3A_30 = arith.constant 0 : i32
    %dma_start3A_31 = arith.constant 0 : i32
    %dma_start3A_32 = tpu.memref_slice %arg6[%dma_start3A_30, %dma_start3A_31] : memref<256x128xf32, #tpu.memory_space<vmem>> -> memref<128x128xf32, #tpu.memory_space<vmem>>
    tpu.enqueue_dma source(%dma_start3A_32 : memref<128x128xf32, #tpu.memory_space<vmem>>) target(%dma_start3A_29 : memref<128x128xf32, #tpu.memory_space<hbm>>) target_semaphore(%arg10 : memref<!tpu.dma_semaphore, #tpu.memory_space<semaphore_mem>>)
    %dma_start3A_33 = arith.constant 1 : i32
    %dma_start3A_34 = arith.constant 128 : i32
    %dma_start3A_35 = arith.constant 0 : i32
    %dma_start3A_36 = tpu.memref_slice %arg6[%dma_start3A_34, %dma_start3A_35] : memref<256x128xf32, #tpu.memory_space<vmem>> -> memref<128x128xf32, #tpu.memory_space<vmem>>
    %dma_start3A_37 = arith.constant 0 : i32
    %dma_start3A_38 = tpu.memref_slice %arg4[%dma_start3A_33, %mul3A_2, %dma_start3A_37] : memref<50x4096x128xf32, #tpu.memory_space<hbm>> -> memref<1x128x128xf32, #tpu.memory_space<hbm>>
    %dma_start3A_39 = tpu.memref_squeeze %dma_start3A_38 : memref<1x128x128xf32, #tpu.memory_space<hbm>> -> memref<128x128xf32, #tpu.memory_space<hbm>>
    %dma_start3A_40 = arith.constant 0 : i32
    %dma_start3A_41 = tpu.memref_slice %arg4[%dma_start3A_33, %mul3A_2, %dma_start3A_40] : memref<50x4096x128xf32, #tpu.memory_space<hbm>> -> memref<1x128x128xf32, #tpu.memory_space<hbm>>
    %dma_start3A_42 = tpu.memref_squeeze %dma_start3A_41 : memref<1x128x128xf32, #tpu.memory_space<hbm>> -> memref<128x128xf32, #tpu.memory_space<hbm>>
    %dma_start3A_43 = arith.constant 128 : i32
    %dma_start3A_44 = arith.constant 0 : i32
    %dma_start3A_45 = tpu.memref_slice %arg6[%dma_start3A_43, %dma_start3A_44] : memref<256x128xf32, #tpu.memory_space<vmem>> -> memref<128x128xf32, #tpu.memory_space<vmem>>
    tpu.enqueue_dma source(%dma_start3A_45 : memref<128x128xf32, #tpu.memory_space<vmem>>) target(%dma_start3A_42 : memref<128x128xf32, #tpu.memory_space<hbm>>) target_semaphore(%arg10 : memref<!tpu.dma_semaphore, #tpu.memory_space<semaphore_mem>>)
    %dma_wait3A_46 = arith.constant 256 : i32
    %dma_wait3A_47 = tpu.memref_slice %arg5[%dma_wait3A_46] : memref<6400xi32, #tpu.memory_space<vmem>> -> memref<256xi32, #tpu.memory_space<vmem>>
    %dma_wait3A_48 = arith.constant 0 : i32
    %dma_wait3A_49 = arith.constant 0 : i32
    %dma_wait3A_50 = tpu.memref_slice %arg3[%dma_wait3A_48, %dma_wait3A_49] : memref<100000x128xf32, #tpu.memory_space<hbm>> -> memref<100000x128xf32, #tpu.memory_space<hbm>>
    tpu.wait_indirect_dma semaphore(%arg9 : memref<!tpu.dma_semaphore, #tpu.memory_space<semaphore_mem>>) src(%dma_wait3A_50 : memref<100000x128xf32, #tpu.memory_space<hbm>>) dst(%arg7 : memref<256x128xf32, #tpu.memory_space<vmem>>)
    %dma_start3A_51 = arith.constant 2 : i32
    %dma_start3A_52 = arith.constant 0 : i32
    %dma_start3A_53 = arith.constant 0 : i32
    %dma_start3A_54 = tpu.memref_slice %arg7[%dma_start3A_52, %dma_start3A_53] : memref<256x128xf32, #tpu.memory_space<vmem>> -> memref<128x128xf32, #tpu.memory_space<vmem>>
    %dma_start3A_55 = arith.constant 0 : i32
    %dma_start3A_56 = tpu.memref_slice %arg4[%dma_start3A_51, %mul3A_2, %dma_start3A_55] : memref<50x4096x128xf32, #tpu.memory_space<hbm>> -> memref<1x128x128xf32, #tpu.memory_space<hbm>>
    %dma_start3A_57 = tpu.memref_squeeze %dma_start3A_56 : memref<1x128x128xf32, #tpu.memory_space<hbm>> -> memref<128x128xf32, #tpu.memory_space<hbm>>
    %dma_start3A_58 = arith.constant 0 : i32
    %dma_start3A_59 = tpu.memref_slice %arg4[%dma_start3A_51, %mul3A_2, %dma_start3A_58] : memref<50x4096x128xf32, #tpu.memory_space<hbm>> -> memref<1x128x128xf32, #tpu.memory_space<hbm>>
    %dma_start3A_60 = tpu.memref_squeeze %dma_start3A_59 : memref<1x128x128xf32, #tpu.memory_space<hbm>> -> memref<128x128xf32, #tpu.memory_space<hbm>>
    %dma_start3A_61 = arith.constant 0 : i32
    %dma_start3A_62 = arith.constant 0 : i32
    %dma_start3A_63 = tpu.memref_slice %arg7[%dma_start3A_61, %dma_start3A_62] : memref<256x128xf32, #tpu.memory_space<vmem>> -> memref<128x128xf32, #tpu.memory_space<vmem>>
    tpu.enqueue_dma source(%dma_start3A_63 : memref<128x128xf32, #tpu.memory_space<vmem>>) target(%dma_start3A_60 : memref<128x128xf32, #tpu.memory_space<hbm>>) target_semaphore(%arg11 : memref<!tpu.dma_semaphore, #tpu.memory_space<semaphore_mem>>)
    %dma_start3A_64 = arith.constant 3 : i32
    %dma_start3A_65 = arith.constant 128 : i32
    %dma_start3A_66 = arith.constant 0 : i32
    %dma_start3A_67 = tpu.memref_slice %arg7[%dma_start3A_65, %dma_start3A_66] : memref<256x128xf32, #tpu.memory_space<vmem>> -> memref<128x128xf32, #tpu.memory_space<vmem>>
    %dma_start3A_68 = arith.constant 0 : i32
    %dma_start3A_69 = tpu.memref_slice %arg4[%dma_start3A_64, %mul3A_2, %dma_start3A_68] : memref<50x4096x128xf32, #tpu.memory_space<hbm>> -> memref<1x128x128xf32, #tpu.memory_space<hbm>>
    %dma_start3A_70 = tpu.memref_squeeze %dma_start3A_69 : memref<1x128x128xf32, #tpu.memory_space<hbm>> -> memref<128x128xf32, #tpu.memory_space<hbm>>
    %dma_start3A_71 = arith.constant 0 : i32
    %dma_start3A_72 = tpu.memref_slice %arg4[%dma_start3A_64, %mul3A_2, %dma_start3A_71] : memref<50x4096x128xf32, #tpu.memory_space<hbm>> -> memref<1x128x128xf32, #tpu.memory_space<hbm>>
    %dma_start3A_73 = tpu.memref_squeeze %dma_start3A_72 : memref<1x128x128xf32, #tpu.memory_space<hbm>> -> memref<128x128xf32, #tpu.memory_space<hbm>>
    %dma_start3A_74 = arith.constant 128 : i32
    %dma_start3A_75 = arith.constant 0 : i32
    %dma_start3A_76 = tpu.memref_slice %arg7[%dma_start3A_74, %dma_start3A_75] : memref<256x128xf32, #tpu.memory_space<vmem>> -> memref<128x128xf32, #tpu.memory_space<vmem>>
    tpu.enqueue_dma source(%dma_start3A_76 : memref<128x128xf32, #tpu.memory_space<vmem>>) target(%dma_start3A_73 : memref<128x128xf32, #tpu.memory_space<hbm>>) target_semaphore(%arg11 : memref<!tpu.dma_semaphore, #tpu.memory_space<semaphore_mem>>)
    %scan3A = arith.constant 0 : i32
    %scan3A_77 = arith.constant 1 : i32
    %scan3A_78 = arith.constant 11 : i32
    %scan3A_79 = arith.addi %scan3A_77, %scan3A_78 : i32
    %scan3A_80 = arith.constant 1 : i32
    scf.for %scan3A_196 = %scan3A_77 to %scan3A_79 step %scan3A_80  : i32 {
      %mul3A_197 = arith.constant 2 : i32
      %mul3A_198 = arith.muli %mul3A_197, %scan3A_196 : i32
      %add3A_199 = arith.constant 1 : i32
      %add3A_200 = arith.addi %mul3A_198, %add3A_199 : i32
      %dma_wait3A_201 = arith.constant 0 : i32
      %dma_wait3A_202 = arith.constant 0 : i32
      %dma_wait3A_203 = arith.constant 0 : i32
      %dma_wait3A_204 = tpu.memref_slice %arg6[%dma_wait3A_202, %dma_wait3A_203] : memref<256x128xf32, #tpu.memory_space<vmem>> -> memref<128x128xf32, #tpu.memory_space<vmem>>
      %dma_wait3A_205 = arith.constant 0 : i32
      %dma_wait3A_206 = tpu.memref_slice %arg4[%dma_wait3A_201, %mul3A_2, %dma_wait3A_205] : memref<50x4096x128xf32, #tpu.memory_space<hbm>> -> memref<1x128x128xf32, #tpu.memory_space<hbm>>
      %dma_wait3A_207 = tpu.memref_squeeze %dma_wait3A_206 : memref<1x128x128xf32, #tpu.memory_space<hbm>> -> memref<128x128xf32, #tpu.memory_space<hbm>>
      %dma_wait3A_208 = arith.constant 0 : i32
      %dma_wait3A_209 = tpu.memref_slice %arg4[%dma_wait3A_201, %mul3A_2, %dma_wait3A_208] : memref<50x4096x128xf32, #tpu.memory_space<hbm>> -> memref<1x128x128xf32, #tpu.memory_space<hbm>>
      %dma_wait3A_210 = tpu.memref_squeeze %dma_wait3A_209 : memref<1x128x128xf32, #tpu.memory_space<hbm>> -> memref<128x128xf32, #tpu.memory_space<hbm>>
      %dma_wait3A_211 = arith.constant 0 : i32
      %dma_wait3A_212 = arith.constant 0 : i32
      %dma_wait3A_213 = tpu.memref_slice %arg6[%dma_wait3A_211, %dma_wait3A_212] : memref<256x128xf32, #tpu.memory_space<vmem>> -> memref<128x128xf32, #tpu.memory_space<vmem>>
      tpu.wait_dma2 semaphore(%arg10 : memref<!tpu.dma_semaphore, #tpu.memory_space<semaphore_mem>>) src(%dma_wait3A_213 : memref<128x128xf32, #tpu.memory_space<vmem>>) dst(%dma_wait3A_210 : memref<128x128xf32, #tpu.memory_space<hbm>>)
      %dma_wait3A_214 = arith.constant 1 : i32
      %dma_wait3A_215 = arith.constant 128 : i32
      %dma_wait3A_216 = arith.constant 0 : i32
      %dma_wait3A_217 = tpu.memref_slice %arg6[%dma_wait3A_215, %dma_wait3A_216] : memref<256x128xf32, #tpu.memory_space<vmem>> -> memref<128x128xf32, #tpu.memory_space<vmem>>
      %dma_wait3A_218 = arith.constant 0 : i32
      %dma_wait3A_219 = tpu.memref_slice %arg4[%dma_wait3A_214, %mul3A_2, %dma_wait3A_218] : memref<50x4096x128xf32, #tpu.memory_space<hbm>> -> memref<1x128x128xf32, #tpu.memory_space<hbm>>
      %dma_wait3A_220 = tpu.memref_squeeze %dma_wait3A_219 : memref<1x128x128xf32, #tpu.memory_space<hbm>> -> memref<128x128xf32, #tpu.memory_space<hbm>>
      %dma_wait3A_221 = arith.constant 0 : i32
      %dma_wait3A_222 = tpu.memref_slice %arg4[%dma_wait3A_214, %mul3A_2, %dma_wait3A_221] : memref<50x4096x128xf32, #tpu.memory_space<hbm>> -> memref<1x128x128xf32, #tpu.memory_space<hbm>>
      %dma_wait3A_223 = tpu.memref_squeeze %dma_wait3A_222 : memref<1x128x128xf32, #tpu.memory_space<hbm>> -> memref<128x128xf32, #tpu.memory_space<hbm>>
      %dma_wait3A_224 = arith.constant 128 : i32
      %dma_wait3A_225 = arith.constant 0 : i32
      %dma_wait3A_226 = tpu.memref_slice %arg6[%dma_wait3A_224, %dma_wait3A_225] : memref<256x128xf32, #tpu.memory_space<vmem>> -> memref<128x128xf32, #tpu.memory_space<vmem>>
      tpu.wait_dma2 semaphore(%arg10 : memref<!tpu.dma_semaphore, #tpu.memory_space<semaphore_mem>>) src(%dma_wait3A_226 : memref<128x128xf32, #tpu.memory_space<vmem>>) dst(%dma_wait3A_223 : memref<128x128xf32, #tpu.memory_space<hbm>>)
      %mul3A_227 = arith.constant 256 : i32
      %mul3A_228 = arith.muli %mul3A_198, %mul3A_227 : i32
      %dma_start3A_229 = tpu.memref_slice %arg5[%mul3A_228] : memref<6400xi32, #tpu.memory_space<vmem>> -> memref<256xi32, #tpu.memory_space<vmem>>
      %dma_start3A_230 = arith.constant 0 : i32
      %dma_start3A_231 = arith.constant 0 : i32
      %dma_start3A_232 = tpu.memref_slice %arg3[%dma_start3A_230, %dma_start3A_231] : memref<100000x128xf32, #tpu.memory_space<hbm>> -> memref<100000x128xf32, #tpu.memory_space<hbm>>
      tpu.enqueue_indirect_dma source(%dma_start3A_232 : memref<100000x128xf32, #tpu.memory_space<hbm>>) target(%arg6 : memref<256x128xf32, #tpu.memory_space<vmem>>) offsets(%dma_start3A_229 : memref<256xi32, #tpu.memory_space<vmem>>) semaphore(%arg8 : memref<!tpu.dma_semaphore, #tpu.memory_space<semaphore_mem>>)
      %dma_wait3A_233 = arith.constant 0 : i32
      %dma_wait3A_234 = arith.constant 0 : i32
      %dma_wait3A_235 = arith.constant 0 : i32
      %dma_wait3A_236 = tpu.memref_slice %arg7[%dma_wait3A_234, %dma_wait3A_235] : memref<256x128xf32, #tpu.memory_space<vmem>> -> memref<128x128xf32, #tpu.memory_space<vmem>>
      %dma_wait3A_237 = arith.constant 0 : i32
      %dma_wait3A_238 = tpu.memref_slice %arg4[%dma_wait3A_233, %mul3A_2, %dma_wait3A_237] : memref<50x4096x128xf32, #tpu.memory_space<hbm>> -> memref<1x128x128xf32, #tpu.memory_space<hbm>>
      %dma_wait3A_239 = tpu.memref_squeeze %dma_wait3A_238 : memref<1x128x128xf32, #tpu.memory_space<hbm>> -> memref<128x128xf32, #tpu.memory_space<hbm>>
      %dma_wait3A_240 = arith.constant 0 : i32
      %dma_wait3A_241 = tpu.memref_slice %arg4[%dma_wait3A_233, %mul3A_2, %dma_wait3A_240] : memref<50x4096x128xf32, #tpu.memory_space<hbm>> -> memref<1x128x128xf32, #tpu.memory_space<hbm>>
      %dma_wait3A_242 = tpu.memref_squeeze %dma_wait3A_241 : memref<1x128x128xf32, #tpu.memory_space<hbm>> -> memref<128x128xf32, #tpu.memory_space<hbm>>
      %dma_wait3A_243 = arith.constant 0 : i32
      %dma_wait3A_244 = arith.constant 0 : i32
      %dma_wait3A_245 = tpu.memref_slice %arg7[%dma_wait3A_243, %dma_wait3A_244] : memref<256x128xf32, #tpu.memory_space<vmem>> -> memref<128x128xf32, #tpu.memory_space<vmem>>
      tpu.wait_dma2 semaphore(%arg11 : memref<!tpu.dma_semaphore, #tpu.memory_space<semaphore_mem>>) src(%dma_wait3A_245 : memref<128x128xf32, #tpu.memory_space<vmem>>) dst(%dma_wait3A_242 : memref<128x128xf32, #tpu.memory_space<hbm>>)
      %dma_wait3A_246 = arith.constant 1 : i32
      %dma_wait3A_247 = arith.constant 128 : i32
      %dma_wait3A_248 = arith.constant 0 : i32
      %dma_wait3A_249 = tpu.memref_slice %arg7[%dma_wait3A_247, %dma_wait3A_248] : memref<256x128xf32, #tpu.memory_space<vmem>> -> memref<128x128xf32, #tpu.memory_space<vmem>>
      %dma_wait3A_250 = arith.constant 0 : i32
      %dma_wait3A_251 = tpu.memref_slice %arg4[%dma_wait3A_246, %mul3A_2, %dma_wait3A_250] : memref<50x4096x128xf32, #tpu.memory_space<hbm>> -> memref<1x128x128xf32, #tpu.memory_space<hbm>>
      %dma_wait3A_252 = tpu.memref_squeeze %dma_wait3A_251 : memref<1x128x128xf32, #tpu.memory_space<hbm>> -> memref<128x128xf32, #tpu.memory_space<hbm>>
      %dma_wait3A_253 = arith.constant 0 : i32
      %dma_wait3A_254 = tpu.memref_slice %arg4[%dma_wait3A_246, %mul3A_2, %dma_wait3A_253] : memref<50x4096x128xf32, #tpu.memory_space<hbm>> -> memref<1x128x128xf32, #tpu.memory_space<hbm>>
      %dma_wait3A_255 = tpu.memref_squeeze %dma_wait3A_254 : memref<1x128x128xf32, #tpu.memory_space<hbm>> -> memref<128x128xf32, #tpu.memory_space<hbm>>
      %dma_wait3A_256 = arith.constant 128 : i32
      %dma_wait3A_257 = arith.constant 0 : i32
      %dma_wait3A_258 = tpu.memref_slice %arg7[%dma_wait3A_256, %dma_wait3A_257] : memref<256x128xf32, #tpu.memory_space<vmem>> -> memref<128x128xf32, #tpu.memory_space<vmem>>
      tpu.wait_dma2 semaphore(%arg11 : memref<!tpu.dma_semaphore, #tpu.memory_space<semaphore_mem>>) src(%dma_wait3A_258 : memref<128x128xf32, #tpu.memory_space<vmem>>) dst(%dma_wait3A_255 : memref<128x128xf32, #tpu.memory_space<hbm>>)
      %mul3A_259 = arith.constant 256 : i32
      %mul3A_260 = arith.muli %add3A_200, %mul3A_259 : i32
      %dma_start3A_261 = tpu.memref_slice %arg5[%mul3A_260] : memref<6400xi32, #tpu.memory_space<vmem>> -> memref<256xi32, #tpu.memory_space<vmem>>
      %dma_start3A_262 = arith.constant 0 : i32
      %dma_start3A_263 = arith.constant 0 : i32
      %dma_start3A_264 = tpu.memref_slice %arg3[%dma_start3A_262, %dma_start3A_263] : memref<100000x128xf32, #tpu.memory_space<hbm>> -> memref<100000x128xf32, #tpu.memory_space<hbm>>
      tpu.enqueue_indirect_dma source(%dma_start3A_264 : memref<100000x128xf32, #tpu.memory_space<hbm>>) target(%arg7 : memref<256x128xf32, #tpu.memory_space<vmem>>) offsets(%dma_start3A_261 : memref<256xi32, #tpu.memory_space<vmem>>) semaphore(%arg9 : memref<!tpu.dma_semaphore, #tpu.memory_space<semaphore_mem>>)
      %dma_wait3A_265 = tpu.memref_slice %arg5[%mul3A_228] : memref<6400xi32, #tpu.memory_space<vmem>> -> memref<256xi32, #tpu.memory_space<vmem>>
      %dma_wait3A_266 = arith.constant 0 : i32
      %dma_wait3A_267 = arith.constant 0 : i32
      %dma_wait3A_268 = tpu.memref_slice %arg3[%dma_wait3A_266, %dma_wait3A_267] : memref<100000x128xf32, #tpu.memory_space<hbm>> -> memref<100000x128xf32, #tpu.memory_space<hbm>>
      tpu.wait_indirect_dma semaphore(%arg8 : memref<!tpu.dma_semaphore, #tpu.memory_space<semaphore_mem>>) src(%dma_wait3A_268 : memref<100000x128xf32, #tpu.memory_space<hbm>>) dst(%arg6 : memref<256x128xf32, #tpu.memory_space<vmem>>)
      %mul3A_269 = arith.constant 2 : i32
      %mul3A_270 = arith.muli %mul3A_269, %mul3A_198 : i32
      %dma_start3A_271 = arith.constant 0 : i32
      %dma_start3A_272 = arith.constant 0 : i32
      %dma_start3A_273 = tpu.memref_slice %arg6[%dma_start3A_271, %dma_start3A_272] : memref<256x128xf32, #tpu.memory_space<vmem>> -> memref<128x128xf32, #tpu.memory_space<vmem>>
      %dma_start3A_274 = arith.constant 0 : i32
      %dma_start3A_275 = tpu.memref_slice %arg4[%mul3A_270, %mul3A_2, %dma_start3A_274] : memref<50x4096x128xf32, #tpu.memory_space<hbm>> -> memref<1x128x128xf32, #tpu.memory_space<hbm>>
      %dma_start3A_276 = tpu.memref_squeeze %dma_start3A_275 : memref<1x128x128xf32, #tpu.memory_space<hbm>> -> memref<128x128xf32, #tpu.memory_space<hbm>>
      %dma_start3A_277 = arith.constant 0 : i32
      %dma_start3A_278 = tpu.memref_slice %arg4[%mul3A_270, %mul3A_2, %dma_start3A_277] : memref<50x4096x128xf32, #tpu.memory_space<hbm>> -> memref<1x128x128xf32, #tpu.memory_space<hbm>>
      %dma_start3A_279 = tpu.memref_squeeze %dma_start3A_278 : memref<1x128x128xf32, #tpu.memory_space<hbm>> -> memref<128x128xf32, #tpu.memory_space<hbm>>
      %dma_start3A_280 = arith.constant 0 : i32
      %dma_start3A_281 = arith.constant 0 : i32
      %dma_start3A_282 = tpu.memref_slice %arg6[%dma_start3A_280, %dma_start3A_281] : memref<256x128xf32, #tpu.memory_space<vmem>> -> memref<128x128xf32, #tpu.memory_space<vmem>>
      tpu.enqueue_dma source(%dma_start3A_282 : memref<128x128xf32, #tpu.memory_space<vmem>>) target(%dma_start3A_279 : memref<128x128xf32, #tpu.memory_space<hbm>>) target_semaphore(%arg10 : memref<!tpu.dma_semaphore, #tpu.memory_space<semaphore_mem>>)
      %add3A_283 = arith.constant 1 : i32
      %add3A_284 = arith.addi %mul3A_270, %add3A_283 : i32
      %dma_start3A_285 = arith.constant 128 : i32
      %dma_start3A_286 = arith.constant 0 : i32
      %dma_start3A_287 = tpu.memref_slice %arg6[%dma_start3A_285, %dma_start3A_286] : memref<256x128xf32, #tpu.memory_space<vmem>> -> memref<128x128xf32, #tpu.memory_space<vmem>>
      %dma_start3A_288 = arith.constant 0 : i32
      %dma_start3A_289 = tpu.memref_slice %arg4[%add3A_284, %mul3A_2, %dma_start3A_288] : memref<50x4096x128xf32, #tpu.memory_space<hbm>> -> memref<1x128x128xf32, #tpu.memory_space<hbm>>
      %dma_start3A_290 = tpu.memref_squeeze %dma_start3A_289 : memref<1x128x128xf32, #tpu.memory_space<hbm>> -> memref<128x128xf32, #tpu.memory_space<hbm>>
      %dma_start3A_291 = arith.constant 0 : i32
      %dma_start3A_292 = tpu.memref_slice %arg4[%add3A_284, %mul3A_2, %dma_start3A_291] : memref<50x4096x128xf32, #tpu.memory_space<hbm>> -> memref<1x128x128xf32, #tpu.memory_space<hbm>>
      %dma_start3A_293 = tpu.memref_squeeze %dma_start3A_292 : memref<1x128x128xf32, #tpu.memory_space<hbm>> -> memref<128x128xf32, #tpu.memory_space<hbm>>
      %dma_start3A_294 = arith.constant 128 : i32
      %dma_start3A_295 = arith.constant 0 : i32
      %dma_start3A_296 = tpu.memref_slice %arg6[%dma_start3A_294, %dma_start3A_295] : memref<256x128xf32, #tpu.memory_space<vmem>> -> memref<128x128xf32, #tpu.memory_space<vmem>>
      tpu.enqueue_dma source(%dma_start3A_296 : memref<128x128xf32, #tpu.memory_space<vmem>>) target(%dma_start3A_293 : memref<128x128xf32, #tpu.memory_space<hbm>>) target_semaphore(%arg10 : memref<!tpu.dma_semaphore, #tpu.memory_space<semaphore_mem>>)
      %dma_wait3A_297 = tpu.memref_slice %arg5[%mul3A_260] : memref<6400xi32, #tpu.memory_space<vmem>> -> memref<256xi32, #tpu.memory_space<vmem>>
      %dma_wait3A_298 = arith.constant 0 : i32
      %dma_wait3A_299 = arith.constant 0 : i32
      %dma_wait3A_300 = tpu.memref_slice %arg3[%dma_wait3A_298, %dma_wait3A_299] : memref<100000x128xf32, #tpu.memory_space<hbm>> -> memref<100000x128xf32, #tpu.memory_space<hbm>>
      tpu.wait_indirect_dma semaphore(%arg9 : memref<!tpu.dma_semaphore, #tpu.memory_space<semaphore_mem>>) src(%dma_wait3A_300 : memref<100000x128xf32, #tpu.memory_space<hbm>>) dst(%arg7 : memref<256x128xf32, #tpu.memory_space<vmem>>)
      %mul3A_301 = arith.constant 2 : i32
      %mul3A_302 = arith.muli %mul3A_301, %add3A_200 : i32
      %dma_start3A_303 = arith.constant 0 : i32
      %dma_start3A_304 = arith.constant 0 : i32
      %dma_start3A_305 = tpu.memref_slice %arg7[%dma_start3A_303, %dma_start3A_304] : memref<256x128xf32, #tpu.memory_space<vmem>> -> memref<128x128xf32, #tpu.memory_space<vmem>>
      %dma_start3A_306 = arith.constant 0 : i32
      %dma_start3A_307 = tpu.memref_slice %arg4[%mul3A_302, %mul3A_2, %dma_start3A_306] : memref<50x4096x128xf32, #tpu.memory_space<hbm>> -> memref<1x128x128xf32, #tpu.memory_space<hbm>>
      %dma_start3A_308 = tpu.memref_squeeze %dma_start3A_307 : memref<1x128x128xf32, #tpu.memory_space<hbm>> -> memref<128x128xf32, #tpu.memory_space<hbm>>
      %dma_start3A_309 = arith.constant 0 : i32
      %dma_start3A_310 = tpu.memref_slice %arg4[%mul3A_302, %mul3A_2, %dma_start3A_309] : memref<50x4096x128xf32, #tpu.memory_space<hbm>> -> memref<1x128x128xf32, #tpu.memory_space<hbm>>
      %dma_start3A_311 = tpu.memref_squeeze %dma_start3A_310 : memref<1x128x128xf32, #tpu.memory_space<hbm>> -> memref<128x128xf32, #tpu.memory_space<hbm>>
      %dma_start3A_312 = arith.constant 0 : i32
      %dma_start3A_313 = arith.constant 0 : i32
      %dma_start3A_314 = tpu.memref_slice %arg7[%dma_start3A_312, %dma_start3A_313] : memref<256x128xf32, #tpu.memory_space<vmem>> -> memref<128x128xf32, #tpu.memory_space<vmem>>
      tpu.enqueue_dma source(%dma_start3A_314 : memref<128x128xf32, #tpu.memory_space<vmem>>) target(%dma_start3A_311 : memref<128x128xf32, #tpu.memory_space<hbm>>) target_semaphore(%arg11 : memref<!tpu.dma_semaphore, #tpu.memory_space<semaphore_mem>>)
      %add3A_315 = arith.constant 1 : i32
      %add3A_316 = arith.addi %mul3A_302, %add3A_315 : i32
      %dma_start3A_317 = arith.constant 128 : i32
      %dma_start3A_318 = arith.constant 0 : i32
      %dma_start3A_319 = tpu.memref_slice %arg7[%dma_start3A_317, %dma_start3A_318] : memref<256x128xf32, #tpu.memory_space<vmem>> -> memref<128x128xf32, #tpu.memory_space<vmem>>
      %dma_start3A_320 = arith.constant 0 : i32
      %dma_start3A_321 = tpu.memref_slice %arg4[%add3A_316, %mul3A_2, %dma_start3A_320] : memref<50x4096x128xf32, #tpu.memory_space<hbm>> -> memref<1x128x128xf32, #tpu.memory_space<hbm>>
      %dma_start3A_322 = tpu.memref_squeeze %dma_start3A_321 : memref<1x128x128xf32, #tpu.memory_space<hbm>> -> memref<128x128xf32, #tpu.memory_space<hbm>>
      %dma_start3A_323 = arith.constant 0 : i32
      %dma_start3A_324 = tpu.memref_slice %arg4[%add3A_316, %mul3A_2, %dma_start3A_323] : memref<50x4096x128xf32, #tpu.memory_space<hbm>> -> memref<1x128x128xf32, #tpu.memory_space<hbm>>
      %dma_start3A_325 = tpu.memref_squeeze %dma_start3A_324 : memref<1x128x128xf32, #tpu.memory_space<hbm>> -> memref<128x128xf32, #tpu.memory_space<hbm>>
      %dma_start3A_326 = arith.constant 128 : i32
      %dma_start3A_327 = arith.constant 0 : i32
      %dma_start3A_328 = tpu.memref_slice %arg7[%dma_start3A_326, %dma_start3A_327] : memref<256x128xf32, #tpu.memory_space<vmem>> -> memref<128x128xf32, #tpu.memory_space<vmem>>
      tpu.enqueue_dma source(%dma_start3A_328 : memref<128x128xf32, #tpu.memory_space<vmem>>) target(%dma_start3A_325 : memref<128x128xf32, #tpu.memory_space<hbm>>) target_semaphore(%arg11 : memref<!tpu.dma_semaphore, #tpu.memory_space<semaphore_mem>>)
    }
    %scan3A_81 = arith.constant 11 : i32
    %dma_wait3A_82 = arith.constant 0 : i32
    %dma_wait3A_83 = arith.constant 0 : i32
    %dma_wait3A_84 = arith.constant 0 : i32
    %dma_wait3A_85 = tpu.memref_slice %arg6[%dma_wait3A_83, %dma_wait3A_84] : memref<256x128xf32, #tpu.memory_space<vmem>> -> memref<128x128xf32, #tpu.memory_space<vmem>>
    %dma_wait3A_86 = arith.constant 0 : i32
    %dma_wait3A_87 = tpu.memref_slice %arg4[%dma_wait3A_82, %mul3A_2, %dma_wait3A_86] : memref<50x4096x128xf32, #tpu.memory_space<hbm>> -> memref<1x128x128xf32, #tpu.memory_space<hbm>>
    %dma_wait3A_88 = tpu.memref_squeeze %dma_wait3A_87 : memref<1x128x128xf32, #tpu.memory_space<hbm>> -> memref<128x128xf32, #tpu.memory_space<hbm>>
    %dma_wait3A_89 = arith.constant 0 : i32
    %dma_wait3A_90 = tpu.memref_slice %arg4[%dma_wait3A_82, %mul3A_2, %dma_wait3A_89] : memref<50x4096x128xf32, #tpu.memory_space<hbm>> -> memref<1x128x128xf32, #tpu.memory_space<hbm>>
    %dma_wait3A_91 = tpu.memref_squeeze %dma_wait3A_90 : memref<1x128x128xf32, #tpu.memory_space<hbm>> -> memref<128x128xf32, #tpu.memory_space<hbm>>
    %dma_wait3A_92 = arith.constant 0 : i32
    %dma_wait3A_93 = arith.constant 0 : i32
    %dma_wait3A_94 = tpu.memref_slice %arg6[%dma_wait3A_92, %dma_wait3A_93] : memref<256x128xf32, #tpu.memory_space<vmem>> -> memref<128x128xf32, #tpu.memory_space<vmem>>
    tpu.wait_dma2 semaphore(%arg10 : memref<!tpu.dma_semaphore, #tpu.memory_space<semaphore_mem>>) src(%dma_wait3A_94 : memref<128x128xf32, #tpu.memory_space<vmem>>) dst(%dma_wait3A_91 : memref<128x128xf32, #tpu.memory_space<hbm>>)
    %dma_wait3A_95 = arith.constant 1 : i32
    %dma_wait3A_96 = arith.constant 128 : i32
    %dma_wait3A_97 = arith.constant 0 : i32
    %dma_wait3A_98 = tpu.memref_slice %arg6[%dma_wait3A_96, %dma_wait3A_97] : memref<256x128xf32, #tpu.memory_space<vmem>> -> memref<128x128xf32, #tpu.memory_space<vmem>>
    %dma_wait3A_99 = arith.constant 0 : i32
    %dma_wait3A_100 = tpu.memref_slice %arg4[%dma_wait3A_95, %mul3A_2, %dma_wait3A_99] : memref<50x4096x128xf32, #tpu.memory_space<hbm>> -> memref<1x128x128xf32, #tpu.memory_space<hbm>>
    %dma_wait3A_101 = tpu.memref_squeeze %dma_wait3A_100 : memref<1x128x128xf32, #tpu.memory_space<hbm>> -> memref<128x128xf32, #tpu.memory_space<hbm>>
    %dma_wait3A_102 = arith.constant 0 : i32
    %dma_wait3A_103 = tpu.memref_slice %arg4[%dma_wait3A_95, %mul3A_2, %dma_wait3A_102] : memref<50x4096x128xf32, #tpu.memory_space<hbm>> -> memref<1x128x128xf32, #tpu.memory_space<hbm>>
    %dma_wait3A_104 = tpu.memref_squeeze %dma_wait3A_103 : memref<1x128x128xf32, #tpu.memory_space<hbm>> -> memref<128x128xf32, #tpu.memory_space<hbm>>
    %dma_wait3A_105 = arith.constant 128 : i32
    %dma_wait3A_106 = arith.constant 0 : i32
    %dma_wait3A_107 = tpu.memref_slice %arg6[%dma_wait3A_105, %dma_wait3A_106] : memref<256x128xf32, #tpu.memory_space<vmem>> -> memref<128x128xf32, #tpu.memory_space<vmem>>
    tpu.wait_dma2 semaphore(%arg10 : memref<!tpu.dma_semaphore, #tpu.memory_space<semaphore_mem>>) src(%dma_wait3A_107 : memref<128x128xf32, #tpu.memory_space<vmem>>) dst(%dma_wait3A_104 : memref<128x128xf32, #tpu.memory_space<hbm>>)
    %dma_start3A_108 = arith.constant 6144 : i32
    %dma_start3A_109 = tpu.memref_slice %arg5[%dma_start3A_108] : memref<6400xi32, #tpu.memory_space<vmem>> -> memref<256xi32, #tpu.memory_space<vmem>>
    %dma_start3A_110 = arith.constant 0 : i32
    %dma_start3A_111 = arith.constant 0 : i32
    %dma_start3A_112 = tpu.memref_slice %arg3[%dma_start3A_110, %dma_start3A_111] : memref<100000x128xf32, #tpu.memory_space<hbm>> -> memref<100000x128xf32, #tpu.memory_space<hbm>>
    tpu.enqueue_indirect_dma source(%dma_start3A_112 : memref<100000x128xf32, #tpu.memory_space<hbm>>) target(%arg6 : memref<256x128xf32, #tpu.memory_space<vmem>>) offsets(%dma_start3A_109 : memref<256xi32, #tpu.memory_space<vmem>>) semaphore(%arg8 : memref<!tpu.dma_semaphore, #tpu.memory_space<semaphore_mem>>)
    %dma_wait3A_113 = arith.constant 0 : i32
    %dma_wait3A_114 = arith.constant 0 : i32
    %dma_wait3A_115 = arith.constant 0 : i32
    %dma_wait3A_116 = tpu.memref_slice %arg7[%dma_wait3A_114, %dma_wait3A_115] : memref<256x128xf32, #tpu.memory_space<vmem>> -> memref<128x128xf32, #tpu.memory_space<vmem>>
    %dma_wait3A_117 = arith.constant 0 : i32
    %dma_wait3A_118 = tpu.memref_slice %arg4[%dma_wait3A_113, %mul3A_2, %dma_wait3A_117] : memref<50x4096x128xf32, #tpu.memory_space<hbm>> -> memref<1x128x128xf32, #tpu.memory_space<hbm>>
    %dma_wait3A_119 = tpu.memref_squeeze %dma_wait3A_118 : memref<1x128x128xf32, #tpu.memory_space<hbm>> -> memref<128x128xf32, #tpu.memory_space<hbm>>
    %dma_wait3A_120 = arith.constant 0 : i32
    %dma_wait3A_121 = tpu.memref_slice %arg4[%dma_wait3A_113, %mul3A_2, %dma_wait3A_120] : memref<50x4096x128xf32, #tpu.memory_space<hbm>> -> memref<1x128x128xf32, #tpu.memory_space<hbm>>
    %dma_wait3A_122 = tpu.memref_squeeze %dma_wait3A_121 : memref<1x128x128xf32, #tpu.memory_space<hbm>> -> memref<128x128xf32, #tpu.memory_space<hbm>>
    %dma_wait3A_123 = arith.constant 0 : i32
    %dma_wait3A_124 = arith.constant 0 : i32
    %dma_wait3A_125 = tpu.memref_slice %arg7[%dma_wait3A_123, %dma_wait3A_124] : memref<256x128xf32, #tpu.memory_space<vmem>> -> memref<128x128xf32, #tpu.memory_space<vmem>>
    tpu.wait_dma2 semaphore(%arg11 : memref<!tpu.dma_semaphore, #tpu.memory_space<semaphore_mem>>) src(%dma_wait3A_125 : memref<128x128xf32, #tpu.memory_space<vmem>>) dst(%dma_wait3A_122 : memref<128x128xf32, #tpu.memory_space<hbm>>)
    %dma_wait3A_126 = arith.constant 1 : i32
    %dma_wait3A_127 = arith.constant 128 : i32
    %dma_wait3A_128 = arith.constant 0 : i32
    %dma_wait3A_129 = tpu.memref_slice %arg7[%dma_wait3A_127, %dma_wait3A_128] : memref<256x128xf32, #tpu.memory_space<vmem>> -> memref<128x128xf32, #tpu.memory_space<vmem>>
    %dma_wait3A_130 = arith.constant 0 : i32
    %dma_wait3A_131 = tpu.memref_slice %arg4[%dma_wait3A_126, %mul3A_2, %dma_wait3A_130] : memref<50x4096x128xf32, #tpu.memory_space<hbm>> -> memref<1x128x128xf32, #tpu.memory_space<hbm>>
    %dma_wait3A_132 = tpu.memref_squeeze %dma_wait3A_131 : memref<1x128x128xf32, #tpu.memory_space<hbm>> -> memref<128x128xf32, #tpu.memory_space<hbm>>
    %dma_wait3A_133 = arith.constant 0 : i32
    %dma_wait3A_134 = tpu.memref_slice %arg4[%dma_wait3A_126, %mul3A_2, %dma_wait3A_133] : memref<50x4096x128xf32, #tpu.memory_space<hbm>> -> memref<1x128x128xf32, #tpu.memory_space<hbm>>
    %dma_wait3A_135 = tpu.memref_squeeze %dma_wait3A_134 : memref<1x128x128xf32, #tpu.memory_space<hbm>> -> memref<128x128xf32, #tpu.memory_space<hbm>>
    %dma_wait3A_136 = arith.constant 128 : i32
    %dma_wait3A_137 = arith.constant 0 : i32
    %dma_wait3A_138 = tpu.memref_slice %arg7[%dma_wait3A_136, %dma_wait3A_137] : memref<256x128xf32, #tpu.memory_space<vmem>> -> memref<128x128xf32, #tpu.memory_space<vmem>>
    tpu.wait_dma2 semaphore(%arg11 : memref<!tpu.dma_semaphore, #tpu.memory_space<semaphore_mem>>) src(%dma_wait3A_138 : memref<128x128xf32, #tpu.memory_space<vmem>>) dst(%dma_wait3A_135 : memref<128x128xf32, #tpu.memory_space<hbm>>)
    %dma_wait3A_139 = arith.constant 6144 : i32
    %dma_wait3A_140 = tpu.memref_slice %arg5[%dma_wait3A_139] : memref<6400xi32, #tpu.memory_space<vmem>> -> memref<256xi32, #tpu.memory_space<vmem>>
    %dma_wait3A_141 = arith.constant 0 : i32
    %dma_wait3A_142 = arith.constant 0 : i32
    %dma_wait3A_143 = tpu.memref_slice %arg3[%dma_wait3A_141, %dma_wait3A_142] : memref<100000x128xf32, #tpu.memory_space<hbm>> -> memref<100000x128xf32, #tpu.memory_space<hbm>>
    tpu.wait_indirect_dma semaphore(%arg8 : memref<!tpu.dma_semaphore, #tpu.memory_space<semaphore_mem>>) src(%dma_wait3A_143 : memref<100000x128xf32, #tpu.memory_space<hbm>>) dst(%arg6 : memref<256x128xf32, #tpu.memory_space<vmem>>)
    %dma_start3A_144 = arith.constant 48 : i32
    %dma_start3A_145 = arith.constant 0 : i32
    %dma_start3A_146 = arith.constant 0 : i32
    %dma_start3A_147 = tpu.memref_slice %arg6[%dma_start3A_145, %dma_start3A_146] : memref<256x128xf32, #tpu.memory_space<vmem>> -> memref<128x128xf32, #tpu.memory_space<vmem>>
    %dma_start3A_148 = arith.constant 0 : i32
    %dma_start3A_149 = tpu.memref_slice %arg4[%dma_start3A_144, %mul3A_2, %dma_start3A_148] : memref<50x4096x128xf32, #tpu.memory_space<hbm>> -> memref<1x128x128xf32, #tpu.memory_space<hbm>>
    %dma_start3A_150 = tpu.memref_squeeze %dma_start3A_149 : memref<1x128x128xf32, #tpu.memory_space<hbm>> -> memref<128x128xf32, #tpu.memory_space<hbm>>
    %dma_start3A_151 = arith.constant 0 : i32
    %dma_start3A_152 = tpu.memref_slice %arg4[%dma_start3A_144, %mul3A_2, %dma_start3A_151] : memref<50x4096x128xf32, #tpu.memory_space<hbm>> -> memref<1x128x128xf32, #tpu.memory_space<hbm>>
    %dma_start3A_153 = tpu.memref_squeeze %dma_start3A_152 : memref<1x128x128xf32, #tpu.memory_space<hbm>> -> memref<128x128xf32, #tpu.memory_space<hbm>>
    %dma_start3A_154 = arith.constant 0 : i32
    %dma_start3A_155 = arith.constant 0 : i32
    %dma_start3A_156 = tpu.memref_slice %arg6[%dma_start3A_154, %dma_start3A_155] : memref<256x128xf32, #tpu.memory_space<vmem>> -> memref<128x128xf32, #tpu.memory_space<vmem>>
    tpu.enqueue_dma source(%dma_start3A_156 : memref<128x128xf32, #tpu.memory_space<vmem>>) target(%dma_start3A_153 : memref<128x128xf32, #tpu.memory_space<hbm>>) target_semaphore(%arg10 : memref<!tpu.dma_semaphore, #tpu.memory_space<semaphore_mem>>)
    %dma_start3A_157 = arith.constant 49 : i32
    %dma_start3A_158 = arith.constant 128 : i32
    %dma_start3A_159 = arith.constant 0 : i32
    %dma_start3A_160 = tpu.memref_slice %arg6[%dma_start3A_158, %dma_start3A_159] : memref<256x128xf32, #tpu.memory_space<vmem>> -> memref<128x128xf32, #tpu.memory_space<vmem>>
    %dma_start3A_161 = arith.constant 0 : i32
    %dma_start3A_162 = tpu.memref_slice %arg4[%dma_start3A_157, %mul3A_2, %dma_start3A_161] : memref<50x4096x128xf32, #tpu.memory_space<hbm>> -> memref<1x128x128xf32, #tpu.memory_space<hbm>>
    %dma_start3A_163 = tpu.memref_squeeze %dma_start3A_162 : memref<1x128x128xf32, #tpu.memory_space<hbm>> -> memref<128x128xf32, #tpu.memory_space<hbm>>
    %dma_start3A_164 = arith.constant 0 : i32
    %dma_start3A_165 = tpu.memref_slice %arg4[%dma_start3A_157, %mul3A_2, %dma_start3A_164] : memref<50x4096x128xf32, #tpu.memory_space<hbm>> -> memref<1x128x128xf32, #tpu.memory_space<hbm>>
    %dma_start3A_166 = tpu.memref_squeeze %dma_start3A_165 : memref<1x128x128xf32, #tpu.memory_space<hbm>> -> memref<128x128xf32, #tpu.memory_space<hbm>>
    %dma_start3A_167 = arith.constant 128 : i32
    %dma_start3A_168 = arith.constant 0 : i32
    %dma_start3A_169 = tpu.memref_slice %arg6[%dma_start3A_167, %dma_start3A_168] : memref<256x128xf32, #tpu.memory_space<vmem>> -> memref<128x128xf32, #tpu.memory_space<vmem>>
    tpu.enqueue_dma source(%dma_start3A_169 : memref<128x128xf32, #tpu.memory_space<vmem>>) target(%dma_start3A_166 : memref<128x128xf32, #tpu.memory_space<hbm>>) target_semaphore(%arg10 : memref<!tpu.dma_semaphore, #tpu.memory_space<semaphore_mem>>)
    %dma_wait3A_170 = arith.constant 0 : i32
    %dma_wait3A_171 = arith.constant 0 : i32
    %dma_wait3A_172 = arith.constant 0 : i32
    %dma_wait3A_173 = tpu.memref_slice %arg6[%dma_wait3A_171, %dma_wait3A_172] : memref<256x128xf32, #tpu.memory_space<vmem>> -> memref<128x128xf32, #tpu.memory_space<vmem>>
    %dma_wait3A_174 = arith.constant 0 : i32
    %dma_wait3A_175 = tpu.memref_slice %arg4[%dma_wait3A_170, %mul3A_2, %dma_wait3A_174] : memref<50x4096x128xf32, #tpu.memory_space<hbm>> -> memref<1x128x128xf32, #tpu.memory_space<hbm>>
    %dma_wait3A_176 = tpu.memref_squeeze %dma_wait3A_175 : memref<1x128x128xf32, #tpu.memory_space<hbm>> -> memref<128x128xf32, #tpu.memory_space<hbm>>
    %dma_wait3A_177 = arith.constant 0 : i32
    %dma_wait3A_178 = tpu.memref_slice %arg4[%dma_wait3A_170, %mul3A_2, %dma_wait3A_177] : memref<50x4096x128xf32, #tpu.memory_space<hbm>> -> memref<1x128x128xf32, #tpu.memory_space<hbm>>
    %dma_wait3A_179 = tpu.memref_squeeze %dma_wait3A_178 : memref<1x128x128xf32, #tpu.memory_space<hbm>> -> memref<128x128xf32, #tpu.memory_space<hbm>>
    %dma_wait3A_180 = arith.constant 0 : i32
    %dma_wait3A_181 = arith.constant 0 : i32
    %dma_wait3A_182 = tpu.memref_slice %arg6[%dma_wait3A_180, %dma_wait3A_181] : memref<256x128xf32, #tpu.memory_space<vmem>> -> memref<128x128xf32, #tpu.memory_space<vmem>>
    tpu.wait_dma2 semaphore(%arg10 : memref<!tpu.dma_semaphore, #tpu.memory_space<semaphore_mem>>) src(%dma_wait3A_182 : memref<128x128xf32, #tpu.memory_space<vmem>>) dst(%dma_wait3A_179 : memref<128x128xf32, #tpu.memory_space<hbm>>)
    %dma_wait3A_183 = arith.constant 1 : i32
    %dma_wait3A_184 = arith.constant 128 : i32
    %dma_wait3A_185 = arith.constant 0 : i32
    %dma_wait3A_186 = tpu.memref_slice %arg6[%dma_wait3A_184, %dma_wait3A_185] : memref<256x128xf32, #tpu.memory_space<vmem>> -> memref<128x128xf32, #tpu.memory_space<vmem>>
    %dma_wait3A_187 = arith.constant 0 : i32
    %dma_wait3A_188 = tpu.memref_slice %arg4[%dma_wait3A_183, %mul3A_2, %dma_wait3A_187] : memref<50x4096x128xf32, #tpu.memory_space<hbm>> -> memref<1x128x128xf32, #tpu.memory_space<hbm>>
    %dma_wait3A_189 = tpu.memref_squeeze %dma_wait3A_188 : memref<1x128x128xf32, #tpu.memory_space<hbm>> -> memref<128x128xf32, #tpu.memory_space<hbm>>
    %dma_wait3A_190 = arith.constant 0 : i32
    %dma_wait3A_191 = tpu.memref_slice %arg4[%dma_wait3A_183, %mul3A_2, %dma_wait3A_190] : memref<50x4096x128xf32, #tpu.memory_space<hbm>> -> memref<1x128x128xf32, #tpu.memory_space<hbm>>
    %dma_wait3A_192 = tpu.memref_squeeze %dma_wait3A_191 : memref<1x128x128xf32, #tpu.memory_space<hbm>> -> memref<128x128xf32, #tpu.memory_space<hbm>>
    %dma_wait3A_193 = arith.constant 128 : i32
    %dma_wait3A_194 = arith.constant 0 : i32
    %dma_wait3A_195 = tpu.memref_slice %arg6[%dma_wait3A_193, %dma_wait3A_194] : memref<256x128xf32, #tpu.memory_space<vmem>> -> memref<128x128xf32, #tpu.memory_space<vmem>>
    tpu.wait_dma2 semaphore(%arg10 : memref<!tpu.dma_semaphore, #tpu.memory_space<semaphore_mem>>) src(%dma_wait3A_195 : memref<128x128xf32, #tpu.memory_space<vmem>>) dst(%dma_wait3A_192 : memref<128x128xf32, #tpu.memory_space<hbm>>)
    return
  }
}

</mosaic_0001>

<sc_bundles>
// kernel: kernel.3.cloned.1.call-start
scs
__scs_entry_jumppad:
0x0: {  	(pc) =	sbr.rel $0x88, $3  }
0x1: {  	(tag) =	ssettag $0x0;
	lr =	simm.s32 $0x1  }
0x2: {  	[smem:$0x3F9F] =	sst lr;
	_ =	strace $0xD0000000  }
0x3: {  	_ = 	snop  }
0x4: {  	_ = 	snop  }
0x5: {  	_ = 	snop  }
0x6: {  	_ = 	snop  }
0x7: {  	_ = 	snop  }
__scs_overlays_trampoline_lowered:
0x8: {  	[smem:$0x3FAE] =	sst s0  }
0x9: {  	[smem:$0x3FAF] =	sst s1  }
0xa: {  	[smem:$0x3FB0] =	sst s2  }
0xb: {  	[smem:$0x3FB1] =	sst s3  }
0xc: {  	[smem:$0x3FB2] =	sst s4  }
0xd: {  	[smem:$0x3FB3] =	sst s5  }
0xe: {  	[smem:$0x3FB4] =	sst s6  }
0xf: {  	[smem:$0x3FB5] =	sst s7  }
0x10: {  	[smem:$0x3FB6] =	sst s8  }
0x11: {  	[smem:$0x3FB7] =	sst s9;
	s0 =	simm.s32 @!p0 $0x0  }
0x12: {  	s1 =	sld [smem:$0x3F9D];
	s0 =	simm.s32 @p0 $0x1  }
0x13: {  	[smem:$0x3FB8] =	sst s0;
	s0 =	simm.s32 @!p1 $0x0  }
0x14: {  	s2 =	sld [smem:$0x3F9C];
	s0 =	simm.s32 @p1 $0x1  }
0x15: {  	[smem:$0x3FB9] =	sst s0;
	s0 =	simm.s32 @!p2 $0x0  }
0x16: {  	s3 =	sld [smem:$0x3FDB];
	s0 =	simm.s32 @p2 $0x1  }
0x17: {  	s4 =	simm.s32 $0x1BF5;
	[smem:$0x3FBB] =	sst s0  }
0x18: {  	s0 =	sld [smem:$0x3F9E];
	_ =	swait.ge [sflag:s4], $0x0  }
0x19: {  	s7 =	sld [smem:$0x3F9F]  }
0x1a: {  	s8 =	sadd.s32 $0xFFFFE003, lr  }
0x1b: {  	s9 =	sadd.s32 $0xFFFFFEF7, lr;
	s5 =	simm.s32 $0xFFFFFFFF;
	p2 =	slt.u32 s8, $0xFFFFF086  }
0x1c: {  	p1 =	slt.u32 s9, $0xF7A;
	s5 =	simm.s32 @!p2 $0x0  }
0x1d: {  	s5 =	simm.s32 @p1 $0x1;
	p0 =	seq.s32 s7, s2  }
0x1e: {  	s7 =	smul.u32 @!p0 $0xF7A, s2;
	p2 =	seq.s32 @!p0 s5, $0x0  }
0x1f: {  	s9 =	smul.u32 $0xF7A, s1;
	s8 =	simm.s32 @!p0 $0x1BF5;
	p2 =	por !p2, p0  }
0x20: {  	[sflag:s8] =	ssyncset.s32 @!p0 $0xFFFFF086;
	s6 =	sadd.s32 @!p0 s3, s7;
	s7 =	simm.s32 @!p0 $0x108  }
0x21: {  	s3 =	sadd.s32 s3, s9;
	s6 =	sadd.s32 @!p0 $0x88, s6;
	s7 =	simm.s32 @p2 $0x1082  }
0x22: {  	[simem:s7], [sflag:s8] =	dma.local @!p0 [hbm:s6], $0xF7A  }
0x23: {  	s9 =	sor.u32 $0xD0000000, s2;
	s6 =	simm.s32 $0x108;
	_ =	swait.ge @!p0 [sflag:s8], $0x0  }
0x24: {  	s3 =	sadd.s32 $0x88, s3;
	s6 =	simm.s32 @!p1 $0x1082;
	[sflag:s4] =	ssyncset.s32 $0xFFFFF086  }
0x25: {  	[simem:s6], [sflag:s4] =	dma.local [hbm:s3], $0xF7A  }
0x26: {  	[smem:$0x3F9F] =	sst s1;
	(tag) =	ssettag s2;
	_ =	strace s9  }
0x27: {  	s1 =	sld [smem:$0x3FAF]  }
0x28: {  	s2 =	sld [smem:$0x3FB0]  }
0x29: {  	s4 =	sld [smem:$0x3FB2]  }
0x2a: {  	p0 =	seq.s32 s5, $0x0;
	s5 =	sld [smem:$0x3FB3]  }
0x2b: {  	s6 =	sld [smem:$0x3FB4]  }
0x2c: {  	s7 =	sld [smem:$0x3FB5]  }
0x2d: {  	s3 =	simm.s32 $0x108;
	s8 =	sld [smem:$0x3FB6]  }
0x2e: {  	s3 =	simm.s32 @!p0 $0x1082;
	s9 =	sld [smem:$0x3FB7]  }
0x2f: {  	lr =	sadd.s32 s0, s3;
	s0 =	sld [smem:$0x3FAE]  }
0x30: {  	s3 =	sld [smem:$0x3FB1]  }
0x31: {  	[smem:$0x3FBA] =	sst s10  }
0x32: {  	s10 =	sld [smem:$0x3FB8];
	_ =	sdelay $0x3  }
0x33: {  	p0 =	seq.s32 s10, $0x1;
	s10 =	sld [smem:$0x3FBA];
	_ =	sdelay $0x3  }
0x34: {  	[smem:$0x3FBA] =	sst s10  }
0x35: {  	s10 =	sld [smem:$0x3FB9];
	_ =	sdelay $0x3  }
0x36: {  	p1 =	seq.s32 s10, $0x1;
	s10 =	sld [smem:$0x3FBA];
	_ =	sdelay $0x3  }
0x37: {  	[smem:$0x3FBA] =	sst s10  }
0x38: {  	s10 =	sld [smem:$0x3FBB]  }
0x39: {  	_ = 	snop;
	(pc) =	sbr.ind lr, $3  }
0x3a: {  	_ = 	snop  }
0x3b: {  	_ = 	snop  }
0x3c: {  	p2 =	seq.s32 s10, $0x1;
	s10 =	sld [smem:$0x3FBA]  }
0x3d: {  	_ =	shalt  }
0x3e: {  	_ =	shalt  }
0x3f: {  	_ =	shalt  }
0x40: {  	_ =	shalt  }
0x41: {  	_ =	shalt  }
0x42: {  	_ =	shalt  }
0x43: {  	_ =	shalt  }
0x44: {  	_ =	shalt  }
0x45: {  	_ =	shalt  }
0x46: {  	_ =	shalt  }
0x47: {  	_ =	shalt  }
0x48: {  	_ =	shalt  }
0x49: {  	_ =	shalt  }
0x4a: {  	_ =	shalt  }
0x4b: {  	_ =	shalt  }
0x4c: {  	_ =	shalt  }
0x4d: {  	_ =	shalt  }
0x4e: {  	_ =	shalt  }
0x4f: {  	_ =	shalt  }
0x50: {  	_ =	shalt  }
0x51: {  	_ =	shalt  }
0x52: {  	_ =	shalt  }
0x53: {  	_ =	shalt  }
0x54: {  	_ =	shalt  }
0x55: {  	_ =	shalt  }
0x56: {  	_ =	shalt  }
0x57: {  	_ =	shalt  }
0x58: {  	_ =	shalt  }
0x59: {  	_ =	shalt  }
0x5a: {  	_ =	shalt  }
0x5b: {  	_ =	shalt  }
0x5c: {  	_ =	shalt  }
0x5d: {  	_ =	shalt  }
0x5e: {  	_ =	shalt  }
0x5f: {  	_ =	shalt  }
0x60: {  	_ =	shalt  }
0x61: {  	_ =	shalt  }
0x62: {  	_ =	shalt  }
0x63: {  	_ =	shalt  }
0x64: {  	_ =	shalt  }
0x65: {  	_ =	shalt  }
0x66: {  	_ =	shalt  }
0x67: {  	_ =	shalt  }
0x68: {  	_ =	shalt  }
0x69: {  	_ =	shalt  }
0x6a: {  	_ =	shalt  }
0x6b: {  	_ =	shalt  }
0x6c: {  	_ =	shalt  }
0x6d: {  	_ =	shalt  }
0x6e: {  	_ =	shalt  }
0x6f: {  	_ =	shalt  }
0x70: {  	_ =	shalt  }
0x71: {  	_ =	shalt  }
0x72: {  	_ =	shalt  }
0x73: {  	_ =	shalt  }
0x74: {  	_ =	shalt  }
0x75: {  	_ =	shalt  }
0x76: {  	_ =	shalt  }
0x77: {  	_ =	shalt  }
0x78: {  	_ =	shalt  }
0x79: {  	_ =	shalt  }
0x7a: {  	_ =	shalt  }
0x7b: {  	_ =	shalt  }
0x7c: {  	_ =	shalt  }
0x7d: {  	_ =	shalt  }
0x7e: {  	_ =	shalt  }
0x7f: {  	_ =	shalt  }
0x80: {  	_ =	shalt  }
0x81: {  	_ =	shalt  }
0x82: {  	_ =	shalt  }
0x83: {  	_ =	shalt  }
0x84: {  	_ =	shalt  }
0x85: {  	_ =	shalt  }
0x86: {  	_ =	shalt  }
0x87: {  	_ =	shalt  }
.Lfunc_end0:
.L_simem_size_0:
called_computation_lowered:
.L_overlay_start_0:
0x88: {  	s2 =	sld [smem:$0x3FD9]  }
0x89: {  	s3 =	sld [smem:$0x3FFE];
	_ =	sdelay $0x1  }
0x8a: {  	s1 =	srdreg.scid  }
0x8b: {  	s0 =	sand.u32 $0x1, s1  }
0x8c: {  	s17 =	sshll.u32 s0, $0xA;
	s2 =	sadd.s32 s3, s2  }
0x8d: {  	s2 =	sadd.s32 s2, s17  }
0x8e: {  	[smem:$0x3FC6] =	sst s2  }
0x8f: {  	_ = 	snop  }
0x90: {  	s2 =	sld [smem:$0x3FC8]  }
0x91: {  	s18 =	sld [smem:$0x3FD0];
	(tm) =	ssettm $0x1  }
0x92: {  	s4 =	sld [smem:$0x3FFB];
	_ =	sdelay $0x3  }
0x93: {  	_ =	strace s4  }
0x94: {  	s4 =	sld [smem:$0x3FFC];
	_ =	sdelay $0x3  }
0x95: {  	_ =	strace s4  }
0x96: {  	s4 =	sld [smem:$0x3FFD];
	_ =	sdelay $0x3  }
0x97: {  	_ =	strace s4  }
0x98: {  	_ =	strace $0x8FFFFFFF  }
0x99: {  	s19 =	sld [smem:$0x3FDB];
	_ =	sdelay $0x1  }
0x9a: {  	s5 =	simm.s32 $_scs_section_size  }
0x9b: {  	s6 =	simm.s32 $_size__tile_overlayer_lowered;
	s7 =	simm.s32 $_tile_overlayer_lowered  }
0x9c: {  	s22 =	simm.s32 $0x1BFF;
	s21 =	sshll.u32 s7, $0x1;
	s4 =	sadd.s32 s5, s19  }
0x9d: {  	s8 =	simm.s32 $0x0;
	s20 =	sshll.u32 s6, $0x1;
	s6 =	sadd.s32 s21, s4  }
0x9e: {  	[timem:s8], [sflag:s22] =	dma.local [hbm:s6], s20  }
0x9f: {  	_ =	swait.ge [sflag:s22], s20  }
0xa0: {  	s5 =	ssub.s32 $0x0, s20;
	[sflag:s22] =	ssyncset.done $0x0  }
0xa1: {  	[sflag:s22] =	ssyncadd.s32 s5;
	_ =	sdelay $0x1  }
0xa2: {  	s23 =	simm.s32 $0x1B8B  }
0xa3: {  	_ =	swait.ge [sflag:s23], $0x1  }
0xa4: {  	[sflag:s23] =	ssyncset.done $0x0  }
0xa5: {  	s25 =	simm.s32 $0x1B8E;
	s24 =	sld [smem:$0x3FFE];
	[sflag:s23] =	ssyncadd.s32 $0xFFFFFFFF  }
0xa6: {  	s26 =	simm.s32 $execute0_lowered;
	[smem:$0x3FD2] =	sst s25  }
0xa7: {  	s6 =	sshll.u32 s26, $0x1;
	_ =	strace $0x80000046;
	[dreg:$0x1] =	wrdreg $0xFFFFFFFF  }
0xa8: {  	s28 =	simm.s32 $_size_execute0_lowered;
	s4 =	sadd.s32 s4, s6;
	[dreg:$0x0] =	wrdreg $0x0  }
0xa9: {  	s6 =	sshll.u32 s28, $0x1;
	[dreg:$0x2] =	wrdreg s4  }
0xaa: {  	[dreg:$0x3] =	wrdreg s6  }
0xab: {  	[dreg:$0x4] =	wrdreg $0xC0  }
0xac: {  	_ =	task [dreg:s8], $0x5FFFF  }
0xad: {  	[dreg:$0x1] =	wrdreg $0xFFFFFFFF  }
0xae: {  	[dreg:$0x0] =	wrdreg $0x60  }
0xaf: {  	[dreg:$0x2] =	wrdreg s24  }
0xb0: {  	[dreg:$0x3] =	wrdreg s2  }
0xb1: {  	[dreg:$0x4] =	wrdreg s18  }
0xb2: {  	[dreg:$0x5] =	wrdreg $0x9  }
0xb3: {  	_ =	task.clear_ibuf [dreg:s8], $0x6FFFF;
	_ =	strace $0x90000046  }
0xb4: {  	s29 =	simm.s32 $0x9;
	_ =	strace $0x80000048  }
0xb5: {  	_ =	swait.ge [sflag:s29], $0x1  }
0xb6: {  	[sflag:s29] =	ssyncadd.s32 $0xFFFFFFFF  }
0xb7: {  	_ =	strace $0x90000048  }
0xb8: {  	_ =	sfence  }
0xb9: {  	s30 =	sld [smem:$0x0];
	_ =	sdelay $0x2  }
0xba: {  	s31 =	sshll.u32 s1, $0xD;
	s1 =	sshrl.u32 s1, $0x2  }
0xbb: {  	s3 =	sand.u32 $0x4000, s31;
	s1 =	sadd.s32 s1, s30  }
0xbc: {  	s0 =	sor.u32 s3, s0;
	s1 =	sshll.u32 s1, $0x11  }
0xbd: {  	s0 =	sor.u32 s1, s0  }
0xbe: {  	s0 =	sadd.s32 $0x8F2B, s0  }
0xbf: {  	[sflag:s0] =	ssyncadd.remote.s32 $0x1  }
0xc0: {  	_ =	sfence.sel $0xFFFF  }
0xc1: {  	[dreg:$0x0] =	wrdreg $0xFFFFFFFF;
	(pc) =	sbr.abs _section_cstart, $3  }
0xc2: {  	[dreg:$0x1] =	wrdreg $0xFFFFFFFF  }
0xc3: {  	_ =	task.clear_ibuf [dreg:s8], $0x2FFFF;
	_ =	strace $0x9FFFFFFF  }
0xc4: {  	(tm) =	ssettm $0x7FFFFFFF  }
0xc5: {  	_ =	shalt  }
tec
execute0_lowered:
.L_overlay_start_1:
0x0: {  	(tag) =	ssettag $0x1  }
0x1: {  	s1 =	rddreg [dreg:$0x0];
	s3 =	srdreg.scid  }
0x2: {  	s0 =	stileid.u32;
	s2 =	rddreg [dreg:$0x1];
	s16 =	simm.s32 $0x5  }
0x3: {  	s17 =	simm.s32 $0x100;
	s18 =	simm.s32 $0x1900;
	s19 =	simm.s32 $0x9900  }
0x4: {  	s20 =	simm.s32 $0x1;
	s21 =	simm.s32 $0x5900;
	s22 =	simm.s32 $0x2  }
0x5: {  	s23 =	simm.s32 $0xD900;
	s24 =	simm.s32 $0x3;
	s25 =	simm.s32 $0x4  }
0x6: {  	s28 =	simm.s32 $0x0;
	s7 =	sand.u32 $0x1, s3;
	s4 =	sshll.u32 s0, $0x1  }
0x7: {  	s3 =	rddreg [dreg:$0x2];
	s9 =	sshll.u32 s0, $0xF;
	s6 =	sor.u32 s7, s4  }
0x8: {  	s4 =	simm.s32 $0x0;
	s8 =	ssub.s32 $0x2, s7;
	s10 =	sshll.u32 s7, $0xE  }
0x9: {  	s5 =	smul.u32 $0x320, s6;
	[smem:$0x7FF] =	sst s4;
	s29 =	sshrl.u32 s8, $0x1  }
0xa: {  	s30 =	sshll.u32 s6, $0xB;
	s6 =	sadd.s32 $0x10000, s3;
	s31 =	sor.u32 s10, s9  }
0xb: {  	_ =	strace $0x80000047;
	s13 =	ssub.s32 s8, s29;
	s7 =	sadd.s32 s3, s30  }
0xc: {  	s8 =	sadd.s32 s30, s6;
	s14 =	sor.u32 $0x300000, s31;
	s1 =	sadd.s32 s5, s1  }
0xd: {  	s9 =	sadd.s32 $0x20000, s7;
	s10 =	sadd.s32 $0x30000, s7;
	s11 =	sadd.s32 $0x300000, s7  }
0xe: {  	s12 =	sadd.s32 $0x310000, s7;
	s15 =	sshrl.u32 s14, $0x3;
	s13 =	smax.u32 s13, $0x1  }
0xf: {  	s14 =	sor.u32 $0x200000, s31;
	s5 =	sadd.s32 $0x400, s1;
	s1 =	sadd.s32 s15, s6  }
.LBB2_1:
0x10: {  	[tilespmem:s4], [sflag:$0x5] =	stream.linear.gather [hbm4b:s5+s4], $0x1900, $0x38;
	[tilespmem:$0x11900] =	vst v63  }
0x11: {  	_ =	swait.ge [sflag:s16], $0x1900  }
0x12: {  	[sflag:s16] =	ssyncset.done $0x0  }
0x13: {  	[sflag:s16] =	ssyncadd.s32 $0xFFFFE700  }
0x14: {  	[tilespmem:s18], [sflag:$0x1] =	stream.indirect.gather [hbm4b:s2+s17], $0x80, s4, s17, $0xb8;
	[tilespmem:$0x11900] =	vst v63  }
0x15: {  	_ = 	snop  }
0x16: {  	[tilespmem:s19], [sflag:$0x2] =	stream.indirect.gather [hbm4b:s2+s17], $0x80, s17, s17, $0xb8;
	[tilespmem:$0x11900] =	vst v63  }
0x17: {  	_ =	swait.ge [sflag:s20], $0x8000  }
0x18: {  	[sflag:s20] =	ssyncset.done $0x0  }
0x19: {  	[sflag:s20] =	ssyncadd.s32 $0xFFFF8000  }
0x1a: {  	[hbm4b:s7+s4] =	stream.linear.scatter [tilespmem:s18], [sflag:$0x3], $0x4000, $0x38;
	[tilespmem:$0x11900] =	vst v63  }
0x1b: {  	_ = 	snop  }
0x1c: {  	[hbm4b:s8+s4] =	stream.linear.scatter [tilespmem:s21], [sflag:$0x3], $0x4000, $0x38;
	[tilespmem:$0x11900] =	vst v63  }
0x1d: {  	_ =	swait.ge [sflag:s22], $0x8000  }
0x1e: {  	[sflag:s22] =	ssyncset.done $0x0  }
0x1f: {  	[sflag:s22] =	ssyncadd.s32 $0xFFFF8000  }
0x20: {  	[hbm4b:s9+s4] =	stream.linear.scatter [tilespmem:s19], [sflag:$0x4], $0x4000, $0x38;
	[tilespmem:$0x11900] =	vst v63  }
0x21: {  	_ = 	snop  }
0x22: {  	[hbm4b:s10+s4] =	stream.linear.scatter [tilespmem:s23], [sflag:$0x4], $0x4000, $0x38;
	[tilespmem:$0x11900] =	vst v63  }
0x23: {  	_ =	swait.ge [sflag:s24], $0x4000  }
0x24: {  	[sflag:s24] =	ssyncset.done $0x0  }
0x25: {  	[sflag:s24] =	ssyncadd.s32 $0xFFFFC000  }
0x26: {  	_ =	swait.ge [sflag:s24], $0x4000  }
0x27: {  	[sflag:s24] =	ssyncset.done $0x0  }
0x28: {  	s15 =	simm.s32 $0x200;
	[sflag:s24] =	ssyncadd.s32 $0xFFFFC000  }
0x29: {  	[tilespmem:s18], [sflag:$0x1] =	stream.indirect.gather [hbm4b:s2+s17], $0x80, s15, s17, $0xb8;
	[tilespmem:$0x11900] =	vst v63  }
0x2a: {  	_ =	swait.ge [sflag:s25], $0x4000  }
0x2b: {  	[sflag:s25] =	ssyncset.done $0x0  }
0x2c: {  	[sflag:s25] =	ssyncadd.s32 $0xFFFFC000  }
0x2d: {  	_ =	swait.ge [sflag:s25], $0x4000  }
0x2e: {  	[sflag:s25] =	ssyncset.done $0x0  }
0x2f: {  	s26 =	simm.s32 $0x300;
	[sflag:s25] =	ssyncadd.s32 $0xFFFFC000  }
0x30: {  	[tilespmem:s19], [sflag:$0x2] =	stream.indirect.gather [hbm4b:s2+s17], $0x80, s26, s17, $0xb8;
	[tilespmem:$0x11900] =	vst v63  }
0x31: {  	_ =	swait.ge [sflag:s20], $0x8000  }
0x32: {  	s0 =	sshrl.u32 s14, $0x3;
	[sflag:s20] =	ssyncset.done $0x0  }
0x33: {  	s29 =	sadd.s32 s3, s0;
	[sflag:s20] =	ssyncadd.s32 $0xFFFF8000  }
0x34: {  	[hbm4b:s29+s4] =	stream.linear.scatter [tilespmem:s18], [sflag:$0x3], $0x4000, $0x38;
	[tilespmem:$0x11900] =	vst v63  }
0x35: {  	s15 =	sadd.s32 s0, s6  }
0x36: {  	[hbm4b:s15+s4] =	stream.linear.scatter [tilespmem:s21], [sflag:$0x3], $0x4000, $0x38;
	[tilespmem:$0x11900] =	vst v63  }
0x37: {  	s30 =	sadd.s32 $0x200000, s14;
	_ =	swait.ge [sflag:s22], $0x8000  }
0x38: {  	s31 =	sadd.s32 $0x40000, s1;
	s26 =	sadd.s32 $0xFFFF0000, s1;
	[sflag:s22] =	ssyncset.done $0x0  }
0x39: {  	s29 =	simm.s32 $0x800;
	s15 =	smov.u32 s1;
	[sflag:s22] =	ssyncadd.s32 $0xFFFF8000  }
0x3a: {  	[hbm4b:s26+s4] =	stream.linear.scatter [tilespmem:s19], [sflag:$0x4], $0x4000, $0x38;
	[tilespmem:$0x11900] =	vst v63  }
.LBB2_2:
0x3b: {  	[hbm4b:s15+s4] =	stream.linear.scatter [tilespmem:s23], [sflag:$0x4], $0x4000, $0x38;
	[tilespmem:$0x11900] =	vst v63  }
0x3c: {  	s0 =	smov.u32 s29;
	s15 =	smov.u32 s31  }
0x3d: {  	p0 =	sne.s32 s29, $0x5000;
	s29 =	sadd.s32 $0x800, s29;
	_ =	swait.ge [sflag:s24], $0x4000  }
0x3e: {  	[sflag:s24] =	ssyncset.done $0x0  }
0x3f: {  	[sflag:s24] =	ssyncadd.s32 $0xFFFFC000  }
0x40: {  	_ =	swait.ge [sflag:s24], $0x4000  }
0x41: {  	s0 =	sshra.s32 s0, $0x2;
	[sflag:s24] =	ssyncset.done $0x0  }
0x42: {  	s26 =	sadd.s32 $0x200, s0;
	[sflag:s24] =	ssyncadd.s32 $0xFFFFC000  }
0x43: {  	[tilespmem:s18], [sflag:$0x1] =	stream.indirect.gather [hbm4b:s2+s17], $0x80, s26, s17, $0xb8;
	[tilespmem:$0x11900] =	vst v63  }
0x44: {  	_ =	swait.ge [sflag:s25], $0x4000  }
0x45: {  	[sflag:s25] =	ssyncset.done $0x0  }
0x46: {  	[sflag:s25] =	ssyncadd.s32 $0xFFFFC000  }
0x47: {  	_ =	swait.ge [sflag:s25], $0x4000  }
0x48: {  	[sflag:s25] =	ssyncset.done $0x0  }
0x49: {  	s0 =	sadd.s32 $0x300, s0;
	[sflag:s25] =	ssyncadd.s32 $0xFFFFC000  }
0x4a: {  	[tilespmem:s19], [sflag:$0x2] =	stream.indirect.gather [hbm4b:s2+s17], $0x80, s0, s17, $0xb8;
	[tilespmem:$0x11900] =	vst v63  }
0x4b: {  	_ =	swait.ge [sflag:s20], $0x8000  }
0x4c: {  	s0 =	sshrl.u32 s30, $0x3;
	[sflag:s20] =	ssyncset.done $0x0  }
0x4d: {  	s26 =	sadd.s32 s3, s0;
	[sflag:s20] =	ssyncadd.s32 $0xFFFF8000  }
0x4e: {  	[hbm4b:s26+s4] =	stream.linear.scatter [tilespmem:s18], [sflag:$0x3], $0x4000, $0x38;
	[tilespmem:$0x11900] =	vst v63  }
0x4f: {  	s0 =	sadd.s32 s0, s6  }
0x50: {  	[hbm4b:s0+s4] =	stream.linear.scatter [tilespmem:s21], [sflag:$0x3], $0x4000, $0x38;
	[tilespmem:$0x11900] =	vst v63  }
.Ltmp0:
0x51: {  	_ =	swait.ge [sflag:s22], $0x8000;
	(pc) =	sbr.rel @p0 .LBB2_2-.Ltmp0, $4  }
0x52: {  	[sflag:s22] =	ssyncset.done $0x0  }
0x53: {  	s0 =	sadd.s32 $0xFFFF0000, s31;
	[sflag:s22] =	ssyncadd.s32 $0xFFFF8000  }
0x54: {  	[hbm4b:s0+s4] =	stream.linear.scatter [tilespmem:s19], [sflag:$0x4], $0x4000, $0x38;
	[tilespmem:$0x11900] =	vst v63  }
0x55: {  	s30 =	sadd.s32 $0x200000, s30;
	s31 =	sadd.s32 $0x40000, s31  }
0x56: {  	[hbm4b:s15+s4] =	stream.linear.scatter [tilespmem:s23], [sflag:$0x4], $0x4000, $0x38;
	[tilespmem:$0x11900] =	vst v63  }
0x57: {  	_ =	swait.ge [sflag:s24], $0x4000  }
0x58: {  	[sflag:s24] =	ssyncset.done $0x0  }
0x59: {  	[sflag:s24] =	ssyncadd.s32 $0xFFFFC000  }
0x5a: {  	_ =	swait.ge [sflag:s24], $0x4000  }
0x5b: {  	[sflag:s24] =	ssyncset.done $0x0  }
0x5c: {  	s0 =	simm.s32 $0x1800;
	[sflag:s24] =	ssyncadd.s32 $0xFFFFC000  }
0x5d: {  	[tilespmem:s18], [sflag:$0x1] =	stream.indirect.gather [hbm4b:s2+s17], $0x80, s0, s17, $0xb8;
	[tilespmem:$0x11900] =	vst v63  }
0x5e: {  	_ =	swait.ge [sflag:s25], $0x4000  }
0x5f: {  	[sflag:s25] =	ssyncset.done $0x0  }
0x60: {  	[sflag:s25] =	ssyncadd.s32 $0xFFFFC000  }
0x61: {  	_ =	swait.ge [sflag:s25], $0x4000  }
0x62: {  	[sflag:s25] =	ssyncset.done $0x0  }
0x63: {  	[sflag:s25] =	ssyncadd.s32 $0xFFFFC000  }
0x64: {  	_ =	swait.ge [sflag:s20], $0x8000  }
0x65: {  	[sflag:s20] =	ssyncset.done $0x0  }
0x66: {  	[sflag:s20] =	ssyncadd.s32 $0xFFFF8000  }
0x67: {  	[hbm4b:s11+s4] =	stream.linear.scatter [tilespmem:s18], [sflag:$0x3], $0x4000, $0x38;
	[tilespmem:$0x11900] =	vst v63  }
0x68: {  	s28 =	sadd.s32 $0x1, s28  }
0x69: {  	[hbm4b:s12+s4] =	stream.linear.scatter [tilespmem:s21], [sflag:$0x3], $0x4000, $0x38;
	[tilespmem:$0x11900] =	vst v63  }
0x6a: {  	p0 =	sne.s32 s28, s13;
	_ =	swait.ge [sflag:s24], $0x4000  }
.Ltmp1:
0x6b: {  	[sflag:s24] =	ssyncset.done $0x0;
	(pc) =	sbr.rel @p0 .LBB2_1-.Ltmp1, $4  }
0x6c: {  	[sflag:s24] =	ssyncadd.s32 $0xFFFFC000  }
0x6d: {  	_ =	swait.ge [sflag:s24], $0x4000  }
0x6e: {  	[sflag:s24] =	ssyncset.done $0x0  }
0x6f: {  	[sflag:s24] =	ssyncadd.s32 $0xFFFFC000  }
0x70: {  	_ =	sfence.sel $0x180000  }
0x71: {  	[bflag:$0x0] =	sbarrier.arrive $0xFFFF  }
0x72: {  	_ =	strace $0x90000047  }
0x73: {  	s0 =	stileid.u32;
	[bflag:$0x2] =	sbarrier.arrive $0xFFFF  }
0x74: {  	p0 =	sne.s32 s0, $0x0;
	s0 =	rddreg [dreg:$0x3]  }
0x75: {  	s0 =	sadd.s32 @!p0 $0x100000, s0  }
0x76: {  	[sflag:s0] =	ssyncadd.tile.s32 @!p0 $0x1;
	_ =	shalt  }
.Lfunc_end2:
_tile_overlayer_lowered:
.L_overlay_start_2:
0x77: {  	(tag) =	ssettag $0x2  }
0x78: {  	s0 =	rddreg [dreg:$0x0];
	s2 =	stileid.u32  }
0x79: {  	s1 =	rddreg [dreg:$0x1];
	p0 =	sne.s32 s2, $0x0  }
0x7a: {  	s3 =	rddreg [dreg:$0x2];
	[bflag:$0x3] =	sbarrier.arrive $0xFFFF;
	s2 =	simm.s32 @!p0 $0x1C05  }
0x7b: {  	[timem:s3], [sflag:s2] =	dma.local @!p0 [hbm:s0], s1  }
0x7c: {  	s0 =	simm.s32 @!p0 $0x5  }
0x7d: {  	_ =	swait.ge @!p0 [sflag:s0], s1  }
0x7e: {  	s1 =	ssub.s32 @!p0 $0x0, s1;
	[sflag:s0] =	ssyncset.done @!p0 $0x0  }
0x7f: {  	[sflag:s0] =	ssyncadd.s32 @!p0 s1  }
0x80: {  	[bflag:$0x3] =	sbarrier.arrive $0xFFFF  }
0x81: {  	_ =	shalt  }

</sc_bundles>
